<compile_context>
chip_gen: v7x
topology: tpu7x:2x2x1
jax: 0.10.2.dev20260603
libtpu: 0.0.44.dev20260713+nightly
codegen_flags: <defaults>
</compile_context>

<pallas_src>
import functools

import jax
import jax.numpy as jnp
import numpy as np
from jax import lax
from jax.experimental import pallas as pl
from jax.experimental.pallas import tpu as pltpu
from jax.experimental.pallas import tpu_sc as plsc

_N_NODES = 10000
_N_EDGES = 160000
_T = 16
_TT = _T * _T

_NC = 2
_NS = 16
_NW = _NC * _NS

_NA = 96000
_NB = _N_EDGES - _NA
_CHUNK = 2000
_BLK = 8000
_NBLK_A = _NA // _BLK
_NBLK_B = _NB // _BLK

_E_NP = (np.arange(_TT)[None, :] // _T == np.arange(_T)[:, None]).astype(np.float32)
_F_NP = (np.arange(_TT)[None, :] % _T == np.arange(_T)[:, None]).astype(np.float32)

_vector_mesh = plsc.VectorSubcoreMesh(core_axis_name="c", subcore_axis_name="s")


def _sc_gather(table, idx_flat, n_rows):

    per_w = n_rows // _NW
    nb = 3
    nch = per_w // _CHUNK

    @functools.partial(
        pl.kernel,
        mesh=_vector_mesh,
        compiler_params=pltpu.CompilerParams(use_tc_tiling_on_sc=False),
        out_type=jax.ShapeDtypeStruct((n_rows, _T), jnp.float32),
        scratch_types=(
            [pltpu.VMEM((per_w,), jnp.int32)]
            + [pltpu.VMEM((_CHUNK, _T), jnp.float32) for _ in range(nb)]
            + [pltpu.SemaphoreType.DMA for _ in range(2 * nb)]
        ),
    )
    def k(table_hbm, idx_hbm, out_hbm, idx_v, *scr):
        rows = scr[:nb]
        gsem = scr[nb : 2 * nb]
        wsem = scr[2 * nb : 3 * nb]
        wid = lax.axis_index("s") * _NC + lax.axis_index("c")
        base = wid * per_w

        pltpu.sync_copy(idx_hbm.at[pl.ds(base, per_w)], idx_v)

        ghs = [None] * nch
        whs = [None] * nch

        def start_gather(c, b):
            ghs[c] = pltpu.async_copy(
                table_hbm.at[idx_v.at[pl.ds(c * _CHUNK, _CHUNK)]], rows[b], gsem[b]
            )

        def start_write(c, b):
            whs[c] = pltpu.async_copy(
                rows[b], out_hbm.at[pl.ds(base + c * _CHUNK, _CHUNK)], wsem[b]
            )

        for c in range(min(nb, nch)):
            start_gather(c, c % nb)
        for c in range(nch):
            b = c % nb
            ghs[c].wait()
            start_write(c, b)
            if c + nb < nch:
                whs[c].wait()
                start_gather(c + nb, b)
        for c in range(max(nch - nb, 0), nch):
            whs[c].wait()

    return k(table, idx_flat)


def _tc_body(n1_ref, n2_ref, e_ref, f_ref, o_ref):
    a = jnp.dot(
        n1_ref[...].astype(jnp.bfloat16), e_ref[...], preferred_element_type=jnp.float32
    )
    b = jnp.dot(
        n2_ref[...].astype(jnp.bfloat16), f_ref[...], preferred_element_type=jnp.float32
    )
    o_ref[...] = a * b


def _tc_body_aliased(prev_ref, n1_ref, n2_ref, e_ref, f_ref, o_ref):
    del prev_ref
    _tc_body(n1_ref, n2_ref, e_ref, f_ref, o_ref)


def _tc_encode_a(gathered_a, emat, fmat):
    return pl.pallas_call(
        _tc_body,
        grid=(_NBLK_A,),
        in_specs=[
            pl.BlockSpec((_BLK, _T), lambda i: (i, 0)),
            pl.BlockSpec((_BLK, _T), lambda i: (i + _NBLK_A, 0)),
            pl.BlockSpec((_T, _TT), lambda i: (0, 0)),
            pl.BlockSpec((_T, _TT), lambda i: (0, 0)),
        ],
        out_specs=pl.BlockSpec((_BLK, _TT), lambda i: (i, 0)),
        out_shape=jax.ShapeDtypeStruct((_N_EDGES, _TT), jnp.float32),
        compiler_params=pltpu.CompilerParams(dimension_semantics=("arbitrary",)),
    )(gathered_a, gathered_a, emat, fmat)


def _tc_encode_b(partial_out, gathered_b, emat, fmat):
    return pl.pallas_call(
        _tc_body_aliased,
        grid=(_NBLK_B,),
        in_specs=[
            pl.BlockSpec(memory_space=pl.ANY),
            pl.BlockSpec((_BLK, _T), lambda i: (i, 0)),
            pl.BlockSpec((_BLK, _T), lambda i: (i + _NBLK_B, 0)),
            pl.BlockSpec((_T, _TT), lambda i: (0, 0)),
            pl.BlockSpec((_T, _TT), lambda i: (0, 0)),
        ],
        out_specs=pl.BlockSpec((_BLK, _TT), lambda i: (i + _NBLK_A, 0)),
        out_shape=jax.ShapeDtypeStruct((_N_EDGES, _TT), jnp.float32),
        input_output_aliases={0: 0},
        compiler_params=pltpu.CompilerParams(dimension_semantics=("arbitrary",)),
    )(partial_out, gathered_b, gathered_b, emat, fmat)


def kernel(edge_index, node_type):
    ei = edge_index.astype(jnp.int32)
    idx_a = ei[:, :_NA].reshape(-1)
    idx_b = ei[:, _NA:].reshape(-1)
    gathered_a = _sc_gather(node_type, idx_a, 2 * _NA)
    gathered_b = _sc_gather(node_type, idx_b, 2 * _NB)
    emat = jnp.asarray(_E_NP, dtype=jnp.bfloat16)
    fmat = jnp.asarray(_F_NP, dtype=jnp.bfloat16)
    out = _tc_encode_a(gathered_a, emat, fmat)
    return _tc_encode_b(out, gathered_b, emat, fmat)

# --- scband reference (transcript-rebuilt; emitter-appended) ---
"""Pipeline reference for scband-edge-encoder-7052336300124 (READ-ONLY COPY).

The authoritative reference and input builder live on the scoring server;
editing this copy changes nothing except your own understanding.
"""

import jax, jax.numpy as jnp
import numpy as np

N_NODES = 10000
N_EDGES = 160000
T_DIM = 16


def get_edge_node_type(edge_index, node_type, node_type_2=None):
    if node_type_2 is None:
        node_type_2 = node_type
    node1 = jnp.take(node_type, edge_index[0], axis=0)
    node2 = jnp.take(node_type_2, edge_index[1], axis=0)
    return node1, node2


def setup_inputs(seed: int = 0) -> dict:
    key = jax.random.key(seed)
    k1, k2 = jax.random.split(key)
    edge_index = jax.random.randint(k1, (2, N_EDGES), 0, N_NODES, dtype=jnp.int64)
    node_type = jax.random.normal(k2, (N_NODES, T_DIM), dtype=jnp.float32)
    return {"edge_index": edge_index, "node_type": node_type}


def reference(edge_index, node_type):
    # EdgeEncoder(directed=True).forward
    node1, node2 = get_edge_node_type(edge_index, node_type, None)
    encoded_edges = jnp.einsum('ki,kj->kij', node1, node2)
    encoded_edges = encoded_edges.reshape(encoded_edges.shape[0], -1)
    return encoded_edges

if __name__ == "__main__":
    import jax
    _d = setup_inputs()
    print(jax.jit(kernel)(*tuple(_d.values())))

</pallas_src>

<mosaic_0001>
#map = affine_map<(d0, d1) -> (0, 0)>
#map1 = affine_map<(d0, d1) -> (0)>
module attributes {stable_mosaic.version = 14 : i64} {
  func.func @k(%arg0: i32, %arg1: i32, %arg2: memref<10000x16xf32, #tpu.memory_space<hbm>>, %arg3: memref<128000xi32, #tpu.memory_space<hbm>>, %arg4: memref<128000x16xf32, #tpu.memory_space<hbm>>, %arg5: memref<4000xi32, #tpu.memory_space<vmem>>, %arg6: memref<2000x16xf32, #tpu.memory_space<vmem>>, %arg7: memref<2000x16xf32, #tpu.memory_space<vmem>>, %arg8: memref<2000x16xf32, #tpu.memory_space<vmem>>, %arg9: memref<!tpu.dma_semaphore, #tpu.memory_space<semaphore_mem>>, %arg10: memref<!tpu.dma_semaphore, #tpu.memory_space<semaphore_mem>>, %arg11: memref<!tpu.dma_semaphore, #tpu.memory_space<semaphore_mem>>, %arg12: memref<!tpu.dma_semaphore, #tpu.memory_space<semaphore_mem>>, %arg13: memref<!tpu.dma_semaphore, #tpu.memory_space<semaphore_mem>>, %arg14: memref<!tpu.dma_semaphore, #tpu.memory_space<semaphore_mem>>) attributes {dimension_semantics = [#tpu.dimension_semantics<core_parallel>, #tpu.dimension_semantics<subcore_parallel>], iteration_bounds = array<i64: 2, 16>, scalar_prefetch = 0 : i64, scratch_operands = 10 : i64, tpu.core_type = #tpu.core_type<sc_vector_subcore>, window_params = [{transform_indices = #map}, {transform_indices = #map1}, {transform_indices = #map}]} {
    %mul3A = arith.constant 2 : i32
    %mul3A_0 = arith.muli %arg1, %mul3A : i32
    %add3A = arith.addi %mul3A_0, %arg0 : i32
    %mul3A_1 = arith.constant 4000 : i32
    %mul3A_2 = arith.muli %add3A, %mul3A_1 : i32
    "tpu.region"() ({
      %run_scoped3A = tpu.sem_alloc : memref<!tpu.dma_semaphore, #tpu.memory_space<semaphore_mem>>
      %dma_start3A_41 = tpu.memref_slice %arg3[%mul3A_2] : memref<128000xi32, #tpu.memory_space<hbm>> -> memref<4000xi32, #tpu.memory_space<hbm>>
      %dma_start3A_42 = tpu.memref_slice %arg3[%mul3A_2] : memref<128000xi32, #tpu.memory_space<hbm>> -> memref<4000xi32, #tpu.memory_space<hbm>>
      tpu.enqueue_dma source(%dma_start3A_42 : memref<4000xi32, #tpu.memory_space<hbm>>) target(%arg5 : memref<4000xi32, #tpu.memory_space<vmem>>) target_semaphore(%run_scoped3A : memref<!tpu.dma_semaphore, #tpu.memory_space<semaphore_mem>>)
      %dma_wait3A_43 = tpu.memref_slice %arg3[%mul3A_2] : memref<128000xi32, #tpu.memory_space<hbm>> -> memref<4000xi32, #tpu.memory_space<hbm>>
      %dma_wait3A_44 = tpu.memref_slice %arg3[%mul3A_2] : memref<128000xi32, #tpu.memory_space<hbm>> -> memref<4000xi32, #tpu.memory_space<hbm>>
      tpu.wait_dma2 semaphore(%run_scoped3A : memref<!tpu.dma_semaphore, #tpu.memory_space<semaphore_mem>>) src(%dma_wait3A_44 : memref<4000xi32, #tpu.memory_space<hbm>>) dst(%arg5 : memref<4000xi32, #tpu.memory_space<vmem>>)
      tpu.yield
    }) : () -> ()
    %dma_start3A = arith.constant 0 : i32
    %dma_start3A_3 = tpu.memref_slice %arg5[%dma_start3A] : memref<4000xi32, #tpu.memory_space<vmem>> -> memref<2000xi32, #tpu.memory_space<vmem>>
    %dma_start3A_4 = arith.constant 0 : i32
    %dma_start3A_5 = arith.constant 0 : i32
    %dma_start3A_6 = tpu.memref_slice %arg2[%dma_start3A_4, %dma_start3A_5] : memref<10000x16xf32, #tpu.memory_space<hbm>> -> memref<10000x16xf32, #tpu.memory_space<hbm>>
    tpu.enqueue_indirect_dma source(%dma_start3A_6 : memref<10000x16xf32, #tpu.memory_space<hbm>>) target(%arg6 : memref<2000x16xf32, #tpu.memory_space<vmem>>) offsets(%dma_start3A_3 : memref<2000xi32, #tpu.memory_space<vmem>>) semaphore(%arg9 : memref<!tpu.dma_semaphore, #tpu.memory_space<semaphore_mem>>)
    %dma_start3A_7 = arith.constant 2000 : i32
    %dma_start3A_8 = tpu.memref_slice %arg5[%dma_start3A_7] : memref<4000xi32, #tpu.memory_space<vmem>> -> memref<2000xi32, #tpu.memory_space<vmem>>
    %dma_start3A_9 = arith.constant 0 : i32
    %dma_start3A_10 = arith.constant 0 : i32
    %dma_start3A_11 = tpu.memref_slice %arg2[%dma_start3A_9, %dma_start3A_10] : memref<10000x16xf32, #tpu.memory_space<hbm>> -> memref<10000x16xf32, #tpu.memory_space<hbm>>
    tpu.enqueue_indirect_dma source(%dma_start3A_11 : memref<10000x16xf32, #tpu.memory_space<hbm>>) target(%arg7 : memref<2000x16xf32, #tpu.memory_space<vmem>>) offsets(%dma_start3A_8 : memref<2000xi32, #tpu.memory_space<vmem>>) semaphore(%arg10 : memref<!tpu.dma_semaphore, #tpu.memory_space<semaphore_mem>>)
    %dma_wait3A = arith.constant 0 : i32
    %dma_wait3A_12 = tpu.memref_slice %arg5[%dma_wait3A] : memref<4000xi32, #tpu.memory_space<vmem>> -> memref<2000xi32, #tpu.memory_space<vmem>>
    %dma_wait3A_13 = arith.constant 0 : i32
    %dma_wait3A_14 = arith.constant 0 : i32
    %dma_wait3A_15 = tpu.memref_slice %arg2[%dma_wait3A_13, %dma_wait3A_14] : memref<10000x16xf32, #tpu.memory_space<hbm>> -> memref<10000x16xf32, #tpu.memory_space<hbm>>
    tpu.wait_indirect_dma semaphore(%arg9 : memref<!tpu.dma_semaphore, #tpu.memory_space<semaphore_mem>>) src(%dma_wait3A_15 : memref<10000x16xf32, #tpu.memory_space<hbm>>) dst(%arg6 : memref<2000x16xf32, #tpu.memory_space<vmem>>)
    %add3A_16 = arith.constant 0 : i32
    %add3A_17 = arith.addi %mul3A_2, %add3A_16 : i32
    %dma_start3A_18 = arith.constant 0 : i32
    %dma_start3A_19 = tpu.memref_slice %arg4[%add3A_17, %dma_start3A_18] : memref<128000x16xf32, #tpu.memory_space<hbm>> -> memref<2000x16xf32, #tpu.memory_space<hbm>>
    %dma_start3A_20 = arith.constant 0 : i32
    %dma_start3A_21 = tpu.memref_slice %arg4[%add3A_17, %dma_start3A_20] : memref<128000x16xf32, #tpu.memory_space<hbm>> -> memref<2000x16xf32, #tpu.memory_space<hbm>>
    tpu.enqueue_dma source(%arg6 : memref<2000x16xf32, #tpu.memory_space<vmem>>) target(%dma_start3A_21 : memref<2000x16xf32, #tpu.memory_space<hbm>>) target_semaphore(%arg12 : memref<!tpu.dma_semaphore, #tpu.memory_space<semaphore_mem>>)
    %dma_wait3A_22 = arith.constant 2000 : i32
    %dma_wait3A_23 = tpu.memref_slice %arg5[%dma_wait3A_22] : memref<4000xi32, #tpu.memory_space<vmem>> -> memref<2000xi32, #tpu.memory_space<vmem>>
    %dma_wait3A_24 = arith.constant 0 : i32
    %dma_wait3A_25 = arith.constant 0 : i32
    %dma_wait3A_26 = tpu.memref_slice %arg2[%dma_wait3A_24, %dma_wait3A_25] : memref<10000x16xf32, #tpu.memory_space<hbm>> -> memref<10000x16xf32, #tpu.memory_space<hbm>>
    tpu.wait_indirect_dma semaphore(%arg10 : memref<!tpu.dma_semaphore, #tpu.memory_space<semaphore_mem>>) src(%dma_wait3A_26 : memref<10000x16xf32, #tpu.memory_space<hbm>>) dst(%arg7 : memref<2000x16xf32, #tpu.memory_space<vmem>>)
    %add3A_27 = arith.constant 2000 : i32
    %add3A_28 = arith.addi %mul3A_2, %add3A_27 : i32
    %dma_start3A_29 = arith.constant 0 : i32
    %dma_start3A_30 = tpu.memref_slice %arg4[%add3A_28, %dma_start3A_29] : memref<128000x16xf32, #tpu.memory_space<hbm>> -> memref<2000x16xf32, #tpu.memory_space<hbm>>
    %dma_start3A_31 = arith.constant 0 : i32
    %dma_start3A_32 = tpu.memref_slice %arg4[%add3A_28, %dma_start3A_31] : memref<128000x16xf32, #tpu.memory_space<hbm>> -> memref<2000x16xf32, #tpu.memory_space<hbm>>
    tpu.enqueue_dma source(%arg7 : memref<2000x16xf32, #tpu.memory_space<vmem>>) target(%dma_start3A_32 : memref<2000x16xf32, #tpu.memory_space<hbm>>) target_semaphore(%arg13 : memref<!tpu.dma_semaphore, #tpu.memory_space<semaphore_mem>>)
    %dma_wait3A_33 = arith.constant 0 : i32
    %dma_wait3A_34 = tpu.memref_slice %arg4[%add3A_17, %dma_wait3A_33] : memref<128000x16xf32, #tpu.memory_space<hbm>> -> memref<2000x16xf32, #tpu.memory_space<hbm>>
    %dma_wait3A_35 = arith.constant 0 : i32
    %dma_wait3A_36 = tpu.memref_slice %arg4[%add3A_17, %dma_wait3A_35] : memref<128000x16xf32, #tpu.memory_space<hbm>> -> memref<2000x16xf32, #tpu.memory_space<hbm>>
    tpu.wait_dma2 semaphore(%arg12 : memref<!tpu.dma_semaphore, #tpu.memory_space<semaphore_mem>>) src(%arg6 : memref<2000x16xf32, #tpu.memory_space<vmem>>) dst(%dma_wait3A_36 : memref<2000x16xf32, #tpu.memory_space<hbm>>)
    %dma_wait3A_37 = arith.constant 0 : i32
    %dma_wait3A_38 = tpu.memref_slice %arg4[%add3A_28, %dma_wait3A_37] : memref<128000x16xf32, #tpu.memory_space<hbm>> -> memref<2000x16xf32, #tpu.memory_space<hbm>>
    %dma_wait3A_39 = arith.constant 0 : i32
    %dma_wait3A_40 = tpu.memref_slice %arg4[%add3A_28, %dma_wait3A_39] : memref<128000x16xf32, #tpu.memory_space<hbm>> -> memref<2000x16xf32, #tpu.memory_space<hbm>>
    tpu.wait_dma2 semaphore(%arg13 : memref<!tpu.dma_semaphore, #tpu.memory_space<semaphore_mem>>) src(%arg7 : memref<2000x16xf32, #tpu.memory_space<vmem>>) dst(%dma_wait3A_40 : memref<2000x16xf32, #tpu.memory_space<hbm>>)
    return
  }
}

#map = affine_map<(d0, d1) -> (0, 0)>
#map1 = affine_map<(d0, d1) -> (0)>
module attributes {stable_mosaic.version = 14 : i64} {
  func.func @k(%arg0: i32, %arg1: i32, %arg2: memref<10000x16xf32, #tpu.memory_space<hbm>>, %arg3: memref<192000xi32, #tpu.memory_space<hbm>>, %arg4: memref<192000x16xf32, #tpu.memory_space<hbm>>, %arg5: memref<6000xi32, #tpu.memory_space<vmem>>, %arg6: memref<2000x16xf32, #tpu.memory_space<vmem>>, %arg7: memref<2000x16xf32, #tpu.memory_space<vmem>>, %arg8: memref<2000x16xf32, #tpu.memory_space<vmem>>, %arg9: memref<!tpu.dma_semaphore, #tpu.memory_space<semaphore_mem>>, %arg10: memref<!tpu.dma_semaphore, #tpu.memory_space<semaphore_mem>>, %arg11: memref<!tpu.dma_semaphore, #tpu.memory_space<semaphore_mem>>, %arg12: memref<!tpu.dma_semaphore, #tpu.memory_space<semaphore_mem>>, %arg13: memref<!tpu.dma_semaphore, #tpu.memory_space<semaphore_mem>>, %arg14: memref<!tpu.dma_semaphore, #tpu.memory_space<semaphore_mem>>) attributes {dimension_semantics = [#tpu.dimension_semantics<core_parallel>, #tpu.dimension_semantics<subcore_parallel>], iteration_bounds = array<i64: 2, 16>, scalar_prefetch = 0 : i64, scratch_operands = 10 : i64, tpu.core_type = #tpu.core_type<sc_vector_subcore>, window_params = [{transform_indices = #map}, {transform_indices = #map1}, {transform_indices = #map}]} {
    %mul3A = arith.constant 2 : i32
    %mul3A_0 = arith.muli %arg1, %mul3A : i32
    %add3A = arith.addi %mul3A_0, %arg0 : i32
    %mul3A_1 = arith.constant 6000 : i32
    %mul3A_2 = arith.muli %add3A, %mul3A_1 : i32
    "tpu.region"() ({
      %run_scoped3A = tpu.sem_alloc : memref<!tpu.dma_semaphore, #tpu.memory_space<semaphore_mem>>
      %dma_start3A_61 = tpu.memref_slice %arg3[%mul3A_2] : memref<192000xi32, #tpu.memory_space<hbm>> -> memref<6000xi32, #tpu.memory_space<hbm>>
      %dma_start3A_62 = tpu.memref_slice %arg3[%mul3A_2] : memref<192000xi32, #tpu.memory_space<hbm>> -> memref<6000xi32, #tpu.memory_space<hbm>>
      tpu.enqueue_dma source(%dma_start3A_62 : memref<6000xi32, #tpu.memory_space<hbm>>) target(%arg5 : memref<6000xi32, #tpu.memory_space<vmem>>) target_semaphore(%run_scoped3A : memref<!tpu.dma_semaphore, #tpu.memory_space<semaphore_mem>>)
      %dma_wait3A_63 = tpu.memref_slice %arg3[%mul3A_2] : memref<192000xi32, #tpu.memory_space<hbm>> -> memref<6000xi32, #tpu.memory_space<hbm>>
      %dma_wait3A_64 = tpu.memref_slice %arg3[%mul3A_2] : memref<192000xi32, #tpu.memory_space<hbm>> -> memref<6000xi32, #tpu.memory_space<hbm>>
      tpu.wait_dma2 semaphore(%run_scoped3A : memref<!tpu.dma_semaphore, #tpu.memory_space<semaphore_mem>>) src(%dma_wait3A_64 : memref<6000xi32, #tpu.memory_space<hbm>>) dst(%arg5 : memref<6000xi32, #tpu.memory_space<vmem>>)
      tpu.yield
    }) : () -> ()
    %dma_start3A = arith.constant 0 : i32
    %dma_start3A_3 = tpu.memref_slice %arg5[%dma_start3A] : memref<6000xi32, #tpu.memory_space<vmem>> -> memref<2000xi32, #tpu.memory_space<vmem>>
    %dma_start3A_4 = arith.constant 0 : i32
    %dma_start3A_5 = arith.constant 0 : i32
    %dma_start3A_6 = tpu.memref_slice %arg2[%dma_start3A_4, %dma_start3A_5] : memref<10000x16xf32, #tpu.memory_space<hbm>> -> memref<10000x16xf32, #tpu.memory_space<hbm>>
    tpu.enqueue_indirect_dma source(%dma_start3A_6 : memref<10000x16xf32, #tpu.memory_space<hbm>>) target(%arg6 : memref<2000x16xf32, #tpu.memory_space<vmem>>) offsets(%dma_start3A_3 : memref<2000xi32, #tpu.memory_space<vmem>>) semaphore(%arg9 : memref<!tpu.dma_semaphore, #tpu.memory_space<semaphore_mem>>)
    %dma_start3A_7 = arith.constant 2000 : i32
    %dma_start3A_8 = tpu.memref_slice %arg5[%dma_start3A_7] : memref<6000xi32, #tpu.memory_space<vmem>> -> memref<2000xi32, #tpu.memory_space<vmem>>
    %dma_start3A_9 = arith.constant 0 : i32
    %dma_start3A_10 = arith.constant 0 : i32
    %dma_start3A_11 = tpu.memref_slice %arg2[%dma_start3A_9, %dma_start3A_10] : memref<10000x16xf32, #tpu.memory_space<hbm>> -> memref<10000x16xf32, #tpu.memory_space<hbm>>
    tpu.enqueue_indirect_dma source(%dma_start3A_11 : memref<10000x16xf32, #tpu.memory_space<hbm>>) target(%arg7 : memref<2000x16xf32, #tpu.memory_space<vmem>>) offsets(%dma_start3A_8 : memref<2000xi32, #tpu.memory_space<vmem>>) semaphore(%arg10 : memref<!tpu.dma_semaphore, #tpu.memory_space<semaphore_mem>>)
    %dma_start3A_12 = arith.constant 4000 : i32
    %dma_start3A_13 = tpu.memref_slice %arg5[%dma_start3A_12] : memref<6000xi32, #tpu.memory_space<vmem>> -> memref<2000xi32, #tpu.memory_space<vmem>>
    %dma_start3A_14 = arith.constant 0 : i32
    %dma_start3A_15 = arith.constant 0 : i32
    %dma_start3A_16 = tpu.memref_slice %arg2[%dma_start3A_14, %dma_start3A_15] : memref<10000x16xf32, #tpu.memory_space<hbm>> -> memref<10000x16xf32, #tpu.memory_space<hbm>>
    tpu.enqueue_indirect_dma source(%dma_start3A_16 : memref<10000x16xf32, #tpu.memory_space<hbm>>) target(%arg8 : memref<2000x16xf32, #tpu.memory_space<vmem>>) offsets(%dma_start3A_13 : memref<2000xi32, #tpu.memory_space<vmem>>) semaphore(%arg11 : memref<!tpu.dma_semaphore, #tpu.memory_space<semaphore_mem>>)
    %dma_wait3A = arith.constant 0 : i32
    %dma_wait3A_17 = tpu.memref_slice %arg5[%dma_wait3A] : memref<6000xi32, #tpu.memory_space<vmem>> -> memref<2000xi32, #tpu.memory_space<vmem>>
    %dma_wait3A_18 = arith.constant 0 : i32
    %dma_wait3A_19 = arith.constant 0 : i32
    %dma_wait3A_20 = tpu.memref_slice %arg2[%dma_wait3A_18, %dma_wait3A_19] : memref<10000x16xf32, #tpu.memory_space<hbm>> -> memref<10000x16xf32, #tpu.memory_space<hbm>>
    tpu.wait_indirect_dma semaphore(%arg9 : memref<!tpu.dma_semaphore, #tpu.memory_space<semaphore_mem>>) src(%dma_wait3A_20 : memref<10000x16xf32, #tpu.memory_space<hbm>>) dst(%arg6 : memref<2000x16xf32, #tpu.memory_space<vmem>>)
    %add3A_21 = arith.constant 0 : i32
    %add3A_22 = arith.addi %mul3A_2, %add3A_21 : i32
    %dma_start3A_23 = arith.constant 0 : i32
    %dma_start3A_24 = tpu.memref_slice %arg4[%add3A_22, %dma_start3A_23] : memref<192000x16xf32, #tpu.memory_space<hbm>> -> memref<2000x16xf32, #tpu.memory_space<hbm>>
    %dma_start3A_25 = arith.constant 0 : i32
    %dma_start3A_26 = tpu.memref_slice %arg4[%add3A_22, %dma_start3A_25] : memref<192000x16xf32, #tpu.memory_space<hbm>> -> memref<2000x16xf32, #tpu.memory_space<hbm>>
    tpu.enqueue_dma source(%arg6 : memref<2000x16xf32, #tpu.memory_space<vmem>>) target(%dma_start3A_26 : memref<2000x16xf32, #tpu.memory_space<hbm>>) target_semaphore(%arg12 : memref<!tpu.dma_semaphore, #tpu.memory_space<semaphore_mem>>)
    %dma_wait3A_27 = arith.constant 2000 : i32
    %dma_wait3A_28 = tpu.memref_slice %arg5[%dma_wait3A_27] : memref<6000xi32, #tpu.memory_space<vmem>> -> memref<2000xi32, #tpu.memory_space<vmem>>
    %dma_wait3A_29 = arith.constant 0 : i32
    %dma_wait3A_30 = arith.constant 0 : i32
    %dma_wait3A_31 = tpu.memref_slice %arg2[%dma_wait3A_29, %dma_wait3A_30] : memref<10000x16xf32, #tpu.memory_space<hbm>> -> memref<10000x16xf32, #tpu.memory_space<hbm>>
    tpu.wait_indirect_dma semaphore(%arg10 : memref<!tpu.dma_semaphore, #tpu.memory_space<semaphore_mem>>) src(%dma_wait3A_31 : memref<10000x16xf32, #tpu.memory_space<hbm>>) dst(%arg7 : memref<2000x16xf32, #tpu.memory_space<vmem>>)
    %add3A_32 = arith.constant 2000 : i32
    %add3A_33 = arith.addi %mul3A_2, %add3A_32 : i32
    %dma_start3A_34 = arith.constant 0 : i32
    %dma_start3A_35 = tpu.memref_slice %arg4[%add3A_33, %dma_start3A_34] : memref<192000x16xf32, #tpu.memory_space<hbm>> -> memref<2000x16xf32, #tpu.memory_space<hbm>>
    %dma_start3A_36 = arith.constant 0 : i32
    %dma_start3A_37 = tpu.memref_slice %arg4[%add3A_33, %dma_start3A_36] : memref<192000x16xf32, #tpu.memory_space<hbm>> -> memref<2000x16xf32, #tpu.memory_space<hbm>>
    tpu.enqueue_dma source(%arg7 : memref<2000x16xf32, #tpu.memory_space<vmem>>) target(%dma_start3A_37 : memref<2000x16xf32, #tpu.memory_space<hbm>>) target_semaphore(%arg13 : memref<!tpu.dma_semaphore, #tpu.memory_space<semaphore_mem>>)
    %dma_wait3A_38 = arith.constant 4000 : i32
    %dma_wait3A_39 = tpu.memref_slice %arg5[%dma_wait3A_38] : memref<6000xi32, #tpu.memory_space<vmem>> -> memref<2000xi32, #tpu.memory_space<vmem>>
    %dma_wait3A_40 = arith.constant 0 : i32
    %dma_wait3A_41 = arith.constant 0 : i32
    %dma_wait3A_42 = tpu.memref_slice %arg2[%dma_wait3A_40, %dma_wait3A_41] : memref<10000x16xf32, #tpu.memory_space<hbm>> -> memref<10000x16xf32, #tpu.memory_space<hbm>>
    tpu.wait_indirect_dma semaphore(%arg11 : memref<!tpu.dma_semaphore, #tpu.memory_space<semaphore_mem>>) src(%dma_wait3A_42 : memref<10000x16xf32, #tpu.memory_space<hbm>>) dst(%arg8 : memref<2000x16xf32, #tpu.memory_space<vmem>>)
    %add3A_43 = arith.constant 4000 : i32
    %add3A_44 = arith.addi %mul3A_2, %add3A_43 : i32
    %dma_start3A_45 = arith.constant 0 : i32
    %dma_start3A_46 = tpu.memref_slice %arg4[%add3A_44, %dma_start3A_45] : memref<192000x16xf32, #tpu.memory_space<hbm>> -> memref<2000x16xf32, #tpu.memory_space<hbm>>
    %dma_start3A_47 = arith.constant 0 : i32
    %dma_start3A_48 = tpu.memref_slice %arg4[%add3A_44, %dma_start3A_47] : memref<192000x16xf32, #tpu.memory_space<hbm>> -> memref<2000x16xf32, #tpu.memory_space<hbm>>
    tpu.enqueue_dma source(%arg8 : memref<2000x16xf32, #tpu.memory_space<vmem>>) target(%dma_start3A_48 : memref<2000x16xf32, #tpu.memory_space<hbm>>) target_semaphore(%arg14 : memref<!tpu.dma_semaphore, #tpu.memory_space<semaphore_mem>>)
    %dma_wait3A_49 = arith.constant 0 : i32
    %dma_wait3A_50 = tpu.memref_slice %arg4[%add3A_22, %dma_wait3A_49] : memref<192000x16xf32, #tpu.memory_space<hbm>> -> memref<2000x16xf32, #tpu.memory_space<hbm>>
    %dma_wait3A_51 = arith.constant 0 : i32
    %dma_wait3A_52 = tpu.memref_slice %arg4[%add3A_22, %dma_wait3A_51] : memref<192000x16xf32, #tpu.memory_space<hbm>> -> memref<2000x16xf32, #tpu.memory_space<hbm>>
    tpu.wait_dma2 semaphore(%arg12 : memref<!tpu.dma_semaphore, #tpu.memory_space<semaphore_mem>>) src(%arg6 : memref<2000x16xf32, #tpu.memory_space<vmem>>) dst(%dma_wait3A_52 : memref<2000x16xf32, #tpu.memory_space<hbm>>)
    %dma_wait3A_53 = arith.constant 0 : i32
    %dma_wait3A_54 = tpu.memref_slice %arg4[%add3A_33, %dma_wait3A_53] : memref<192000x16xf32, #tpu.memory_space<hbm>> -> memref<2000x16xf32, #tpu.memory_space<hbm>>
    %dma_wait3A_55 = arith.constant 0 : i32
    %dma_wait3A_56 = tpu.memref_slice %arg4[%add3A_33, %dma_wait3A_55] : memref<192000x16xf32, #tpu.memory_space<hbm>> -> memref<2000x16xf32, #tpu.memory_space<hbm>>
    tpu.wait_dma2 semaphore(%arg13 : memref<!tpu.dma_semaphore, #tpu.memory_space<semaphore_mem>>) src(%arg7 : memref<2000x16xf32, #tpu.memory_space<vmem>>) dst(%dma_wait3A_56 : memref<2000x16xf32, #tpu.memory_space<hbm>>)
    %dma_wait3A_57 = arith.constant 0 : i32
    %dma_wait3A_58 = tpu.memref_slice %arg4[%add3A_44, %dma_wait3A_57] : memref<192000x16xf32, #tpu.memory_space<hbm>> -> memref<2000x16xf32, #tpu.memory_space<hbm>>
    %dma_wait3A_59 = arith.constant 0 : i32
    %dma_wait3A_60 = tpu.memref_slice %arg4[%add3A_44, %dma_wait3A_59] : memref<192000x16xf32, #tpu.memory_space<hbm>> -> memref<2000x16xf32, #tpu.memory_space<hbm>>
    tpu.wait_dma2 semaphore(%arg14 : memref<!tpu.dma_semaphore, #tpu.memory_space<semaphore_mem>>) src(%arg8 : memref<2000x16xf32, #tpu.memory_space<vmem>>) dst(%dma_wait3A_60 : memref<2000x16xf32, #tpu.memory_space<hbm>>)
    return
  }
}

module attributes {stable_mosaic.version = 14 : i64} {
  func.func @_tc_body(%arg0: i32, %arg1: memref<8000x16xf32, #tpu.memory_space<vmem>>, %arg2: memref<8000x16xf32, #tpu.memory_space<vmem>>, %arg3: memref<16x256xbf16, #tpu.memory_space<vmem>>, %arg4: memref<16x256xbf16, #tpu.memory_space<vmem>>, %arg5: memref<8000x256xf32, #tpu.memory_space<vmem>>) attributes {dimension_semantics = [#tpu.dimension_semantics<arbitrary>], iteration_bounds = array<i64: 12>, scalar_prefetch = 0 : i64, scratch_operands = 0 : i64, tpu.core_type = #tpu.core_type<tc>, window_params = [{transform_indices = @transform_0, window_bounds = array<i64: 8000, 16>}, {transform_indices = @transform_1, window_bounds = array<i64: 8000, 16>}, {pipeline_mode = #tpu.pipeline_mode<synchronous>, transform_indices = @transform_2, window_bounds = array<i64: 16, 256>}, {pipeline_mode = #tpu.pipeline_mode<synchronous>, transform_indices = @transform_3, window_bounds = array<i64: 16, 256>}, {transform_indices = @transform_4, window_bounds = array<i64: 8000, 256>}]} {
    %get3A = arith.constant 0 : index
    %get3A_0 = arith.constant 0 : index
    %get3A_1 = vector.load %arg1[%get3A, %get3A_0] : memref<8000x16xf32, #tpu.memory_space<vmem>>, vector<8000x16xf32>
    %convert_element_type3A = arith.truncf %get3A_1 : vector<8000x16xf32> to vector<8000x16xbf16>
    %get3A_2 = arith.constant 0 : index
    %get3A_3 = arith.constant 0 : index
    %get3A_4 = vector.load %arg3[%get3A_2, %get3A_3] : memref<16x256xbf16, #tpu.memory_space<vmem>>, vector<16x256xbf16>
    %dot_general3A = arith.constant dense<0.000000e+00> : vector<8000x256xf32>
    %dot_general3A_5 = tpu.matmul %convert_element_type3A, %get3A_4, %dot_general3A {dimension_numbers = #tpu.dot_dimension_numbers<[1], [0], [0], [1], [0, 0, 1, 1], [], []>, transpose_lhs_hint = false} : vector<8000x16xbf16>, vector<16x256xbf16>, vector<8000x256xf32> -> vector<8000x256xf32>
    %get3A_6 = arith.constant 0 : index
    %get3A_7 = arith.constant 0 : index
    %get3A_8 = vector.load %arg2[%get3A_6, %get3A_7] : memref<8000x16xf32, #tpu.memory_space<vmem>>, vector<8000x16xf32>
    %convert_element_type3A_9 = arith.truncf %get3A_8 : vector<8000x16xf32> to vector<8000x16xbf16>
    %get3A_10 = arith.constant 0 : index
    %get3A_11 = arith.constant 0 : index
    %get3A_12 = vector.load %arg4[%get3A_10, %get3A_11] : memref<16x256xbf16, #tpu.memory_space<vmem>>, vector<16x256xbf16>
    %dot_general3A_13 = arith.constant dense<0.000000e+00> : vector<8000x256xf32>
    %dot_general3A_14 = tpu.matmul %convert_element_type3A_9, %get3A_12, %dot_general3A_13 {dimension_numbers = #tpu.dot_dimension_numbers<[1], [0], [0], [1], [0, 0, 1, 1], [], []>, transpose_lhs_hint = false} : vector<8000x16xbf16>, vector<16x256xbf16>, vector<8000x256xf32> -> vector<8000x256xf32>
    %mul3A = arith.mulf %dot_general3A_5, %dot_general3A_14 : vector<8000x256xf32>
    %swap3A = arith.constant 0 : index
    %swap3A_15 = arith.constant 0 : index
    %swap3A_16 = vector.load %arg5[%swap3A, %swap3A_15] : memref<8000x256xf32, #tpu.memory_space<vmem>>, vector<8000x256xf32>
    tpu.vector_store %arg5[%swap3A, %swap3A_15], %mul3A {strides = array<i32>} : memref<8000x256xf32, #tpu.memory_space<vmem>>, vector<8000x256xf32>,
    return
  }
  func.func @transform_0(%arg0: i32) -> (i32, i32) {
    %c0_i32 = arith.constant 0 : i32
    %c0_i32_0 = arith.constant 0 : i32
    return %arg0, %c0_i32 : i32, i32
  }
  func.func @transform_1(%arg0: i32) -> (i32, i32) {
    %add3A = arith.constant 12 : i32
    %add3A_0 = arith.addi %arg0, %add3A : i32
    %c0_i32 = arith.constant 0 : i32
    %c0_i32_1 = arith.constant 0 : i32
    return %add3A_0, %c0_i32 : i32, i32
  }
  func.func @transform_2(%arg0: i32) -> (i32, i32) {
    %c0_i32 = arith.constant 0 : i32
    %c0_i32_0 = arith.constant 0 : i32
    %c0_i32_1 = arith.constant 0 : i32
    return %c0_i32, %c0_i32_0 : i32, i32
  }
  func.func @transform_3(%arg0: i32) -> (i32, i32) {
    %c0_i32 = arith.constant 0 : i32
    %c0_i32_0 = arith.constant 0 : i32
    %c0_i32_1 = arith.constant 0 : i32
    return %c0_i32, %c0_i32_0 : i32, i32
  }
  func.func @transform_4(%arg0: i32) -> (i32, i32) {
    %c0_i32 = arith.constant 0 : i32
    %c0_i32_0 = arith.constant 0 : i32
    return %arg0, %c0_i32 : i32, i32
  }
}

module attributes {stable_mosaic.version = 14 : i64} {
  func.func @_tc_body_aliased(%arg0: i32, %arg1: memref<160000x256xf32, #tpu.memory_space<any>>, %arg2: memref<8000x16xf32, #tpu.memory_space<vmem>>, %arg3: memref<8000x16xf32, #tpu.memory_space<vmem>>, %arg4: memref<16x256xbf16, #tpu.memory_space<vmem>>, %arg5: memref<16x256xbf16, #tpu.memory_space<vmem>>, %arg6: memref<8000x256xf32, #tpu.memory_space<vmem>>) attributes {dimension_semantics = [#tpu.dimension_semantics<arbitrary>], iteration_bounds = array<i64: 8>, scalar_prefetch = 0 : i64, scratch_operands = 0 : i64, tpu.core_type = #tpu.core_type<tc>, window_params = [{}, {transform_indices = @transform_1, window_bounds = array<i64: 8000, 16>}, {transform_indices = @transform_2, window_bounds = array<i64: 8000, 16>}, {pipeline_mode = #tpu.pipeline_mode<synchronous>, transform_indices = @transform_3, window_bounds = array<i64: 16, 256>}, {pipeline_mode = #tpu.pipeline_mode<synchronous>, transform_indices = @transform_4, window_bounds = array<i64: 16, 256>}, {transform_indices = @transform_5, window_bounds = array<i64: 8000, 256>}]} {
    %get3A = arith.constant 0 : index
    %get3A_0 = arith.constant 0 : index
    %get3A_1 = vector.load %arg2[%get3A, %get3A_0] : memref<8000x16xf32, #tpu.memory_space<vmem>>, vector<8000x16xf32>
    %convert_element_type3A = arith.truncf %get3A_1 : vector<8000x16xf32> to vector<8000x16xbf16>
    %get3A_2 = arith.constant 0 : index
    %get3A_3 = arith.constant 0 : index
    %get3A_4 = vector.load %arg4[%get3A_2, %get3A_3] : memref<16x256xbf16, #tpu.memory_space<vmem>>, vector<16x256xbf16>
    %dot_general3A = arith.constant dense<0.000000e+00> : vector<8000x256xf32>
    %dot_general3A_5 = tpu.matmul %convert_element_type3A, %get3A_4, %dot_general3A {dimension_numbers = #tpu.dot_dimension_numbers<[1], [0], [0], [1], [0, 0, 1, 1], [], []>, transpose_lhs_hint = false} : vector<8000x16xbf16>, vector<16x256xbf16>, vector<8000x256xf32> -> vector<8000x256xf32>
    %get3A_6 = arith.constant 0 : index
    %get3A_7 = arith.constant 0 : index
    %get3A_8 = vector.load %arg3[%get3A_6, %get3A_7] : memref<8000x16xf32, #tpu.memory_space<vmem>>, vector<8000x16xf32>
    %convert_element_type3A_9 = arith.truncf %get3A_8 : vector<8000x16xf32> to vector<8000x16xbf16>
    %get3A_10 = arith.constant 0 : index
    %get3A_11 = arith.constant 0 : index
    %get3A_12 = vector.load %arg5[%get3A_10, %get3A_11] : memref<16x256xbf16, #tpu.memory_space<vmem>>, vector<16x256xbf16>
    %dot_general3A_13 = arith.constant dense<0.000000e+00> : vector<8000x256xf32>
    %dot_general3A_14 = tpu.matmul %convert_element_type3A_9, %get3A_12, %dot_general3A_13 {dimension_numbers = #tpu.dot_dimension_numbers<[1], [0], [0], [1], [0, 0, 1, 1], [], []>, transpose_lhs_hint = false} : vector<8000x16xbf16>, vector<16x256xbf16>, vector<8000x256xf32> -> vector<8000x256xf32>
    %mul3A = arith.mulf %dot_general3A_5, %dot_general3A_14 : vector<8000x256xf32>
    %swap3A = arith.constant 0 : index
    %swap3A_15 = arith.constant 0 : index
    %swap3A_16 = vector.load %arg6[%swap3A, %swap3A_15] : memref<8000x256xf32, #tpu.memory_space<vmem>>, vector<8000x256xf32>
    tpu.vector_store %arg6[%swap3A, %swap3A_15], %mul3A {strides = array<i32>} : memref<8000x256xf32, #tpu.memory_space<vmem>>, vector<8000x256xf32>,
    return
  }
  func.func @transform_1(%arg0: i32) -> (i32, i32) {
    %c0_i32 = arith.constant 0 : i32
    %c0_i32_0 = arith.constant 0 : i32
    return %arg0, %c0_i32 : i32, i32
  }
  func.func @transform_2(%arg0: i32) -> (i32, i32) {
    %add3A = arith.constant 8 : i32
    %add3A_0 = arith.addi %arg0, %add3A : i32
    %c0_i32 = arith.constant 0 : i32
    %c0_i32_1 = arith.constant 0 : i32
    return %add3A_0, %c0_i32 : i32, i32
  }
  func.func @transform_3(%arg0: i32) -> (i32, i32) {
    %c0_i32 = arith.constant 0 : i32
    %c0_i32_0 = arith.constant 0 : i32
    %c0_i32_1 = arith.constant 0 : i32
    return %c0_i32, %c0_i32_0 : i32, i32
  }
  func.func @transform_4(%arg0: i32) -> (i32, i32) {
    %c0_i32 = arith.constant 0 : i32
    %c0_i32_0 = arith.constant 0 : i32
    %c0_i32_1 = arith.constant 0 : i32
    return %c0_i32, %c0_i32_0 : i32, i32
  }
  func.func @transform_5(%arg0: i32) -> (i32, i32) {
    %add3A = arith.constant 12 : i32
    %add3A_0 = arith.addi %arg0, %add3A : i32
    %c0_i32 = arith.constant 0 : i32
    %c0_i32_1 = arith.constant 0 : i32
    return %add3A_0, %c0_i32 : i32, i32
  }
}

</mosaic_0001>

<sc_bundles>
// kernel: kernel.6.cloned.1.call-start
scs
__scs_entry_jumppad:
0x0: {  	(pc) =	sbr.rel $0x88, $3  }
0x1: {  	(tag) =	ssettag $0x0;
	lr =	simm.s32 $0x1  }
0x2: {  	[smem:$0x3F9F] =	sst lr;
	_ =	strace $0xD0000000  }
0x3: {  	_ = 	snop  }
0x4: {  	_ = 	snop  }
0x5: {  	_ = 	snop  }
0x6: {  	_ = 	snop  }
0x7: {  	_ = 	snop  }
__scs_overlays_trampoline_lowered:
0x8: {  	[smem:$0x3FAE] =	sst s0  }
0x9: {  	[smem:$0x3FAF] =	sst s1  }
0xa: {  	[smem:$0x3FB0] =	sst s2  }
0xb: {  	[smem:$0x3FB1] =	sst s3  }
0xc: {  	[smem:$0x3FB2] =	sst s4  }
0xd: {  	[smem:$0x3FB3] =	sst s5  }
0xe: {  	[smem:$0x3FB4] =	sst s6  }
0xf: {  	[smem:$0x3FB5] =	sst s7  }
0x10: {  	[smem:$0x3FB6] =	sst s8  }
0x11: {  	[smem:$0x3FB7] =	sst s9;
	s0 =	simm.s32 @!p0 $0x0  }
0x12: {  	s1 =	sld [smem:$0x3F9D];
	s0 =	simm.s32 @p0 $0x1  }
0x13: {  	[smem:$0x3FB8] =	sst s0;
	s0 =	simm.s32 @!p1 $0x0  }
0x14: {  	s2 =	sld [smem:$0x3F9C];
	s0 =	simm.s32 @p1 $0x1  }
0x15: {  	[smem:$0x3FB9] =	sst s0;
	s0 =	simm.s32 @!p2 $0x0  }
0x16: {  	s3 =	sld [smem:$0x3FDB];
	s0 =	simm.s32 @p2 $0x1  }
0x17: {  	s4 =	simm.s32 $0x1BF5;
	[smem:$0x3FBB] =	sst s0  }
0x18: {  	s0 =	sld [smem:$0x3F9E];
	_ =	swait.ge [sflag:s4], $0x0  }
0x19: {  	s7 =	sld [smem:$0x3F9F]  }
0x1a: {  	s8 =	sadd.s32 $0xFFFFE003, lr  }
0x1b: {  	s9 =	sadd.s32 $0xFFFFFEF7, lr;
	s5 =	simm.s32 $0xFFFFFFFF;
	p2 =	slt.u32 s8, $0xFFFFF086  }
0x1c: {  	p1 =	slt.u32 s9, $0xF7A;
	s5 =	simm.s32 @!p2 $0x0  }
0x1d: {  	s5 =	simm.s32 @p1 $0x1;
	p0 =	seq.s32 s7, s2  }
0x1e: {  	s7 =	smul.u32 @!p0 $0xF7A, s2;
	p2 =	seq.s32 @!p0 s5, $0x0  }
0x1f: {  	s9 =	smul.u32 $0xF7A, s1;
	s8 =	simm.s32 @!p0 $0x1BF5;
	p2 =	por !p2, p0  }
0x20: {  	[sflag:s8] =	ssyncset.s32 @!p0 $0xFFFFF086;
	s6 =	sadd.s32 @!p0 s3, s7;
	s7 =	simm.s32 @!p0 $0x108  }
0x21: {  	s3 =	sadd.s32 s3, s9;
	s6 =	sadd.s32 @!p0 $0x88, s6;
	s7 =	simm.s32 @p2 $0x1082  }
0x22: {  	[simem:s7], [sflag:s8] =	dma.local @!p0 [hbm:s6], $0xF7A  }
0x23: {  	s9 =	sor.u32 $0xD0000000, s2;
	s6 =	simm.s32 $0x108;
	_ =	swait.ge @!p0 [sflag:s8], $0x0  }
0x24: {  	s3 =	sadd.s32 $0x88, s3;
	s6 =	simm.s32 @!p1 $0x1082;
	[sflag:s4] =	ssyncset.s32 $0xFFFFF086  }
0x25: {  	[simem:s6], [sflag:s4] =	dma.local [hbm:s3], $0xF7A  }
0x26: {  	[smem:$0x3F9F] =	sst s1;
	(tag) =	ssettag s2;
	_ =	strace s9  }
0x27: {  	s1 =	sld [smem:$0x3FAF]  }
0x28: {  	s2 =	sld [smem:$0x3FB0]  }
0x29: {  	s4 =	sld [smem:$0x3FB2]  }
0x2a: {  	p0 =	seq.s32 s5, $0x0;
	s5 =	sld [smem:$0x3FB3]  }
0x2b: {  	s6 =	sld [smem:$0x3FB4]  }
0x2c: {  	s7 =	sld [smem:$0x3FB5]  }
0x2d: {  	s3 =	simm.s32 $0x108;
	s8 =	sld [smem:$0x3FB6]  }
0x2e: {  	s3 =	simm.s32 @!p0 $0x1082;
	s9 =	sld [smem:$0x3FB7]  }
0x2f: {  	lr =	sadd.s32 s0, s3;
	s0 =	sld [smem:$0x3FAE]  }
0x30: {  	s3 =	sld [smem:$0x3FB1]  }
0x31: {  	[smem:$0x3FBA] =	sst s10  }
0x32: {  	s10 =	sld [smem:$0x3FB8];
	_ =	sdelay $0x3  }
0x33: {  	p0 =	seq.s32 s10, $0x1;
	s10 =	sld [smem:$0x3FBA];
	_ =	sdelay $0x3  }
0x34: {  	[smem:$0x3FBA] =	sst s10  }
0x35: {  	s10 =	sld [smem:$0x3FB9];
	_ =	sdelay $0x3  }
0x36: {  	p1 =	seq.s32 s10, $0x1;
	s10 =	sld [smem:$0x3FBA];
	_ =	sdelay $0x3  }
0x37: {  	[smem:$0x3FBA] =	sst s10  }
0x38: {  	s10 =	sld [smem:$0x3FBB]  }
0x39: {  	_ = 	snop;
	(pc) =	sbr.ind lr, $3  }
0x3a: {  	_ = 	snop  }
0x3b: {  	_ = 	snop  }
0x3c: {  	p2 =	seq.s32 s10, $0x1;
	s10 =	sld [smem:$0x3FBA]  }
0x3d: {  	_ =	shalt  }
0x3e: {  	_ =	shalt  }
0x3f: {  	_ =	shalt  }
0x40: {  	_ =	shalt  }
0x41: {  	_ =	shalt  }
0x42: {  	_ =	shalt  }
0x43: {  	_ =	shalt  }
0x44: {  	_ =	shalt  }
0x45: {  	_ =	shalt  }
0x46: {  	_ =	shalt  }
0x47: {  	_ =	shalt  }
0x48: {  	_ =	shalt  }
0x49: {  	_ =	shalt  }
0x4a: {  	_ =	shalt  }
0x4b: {  	_ =	shalt  }
0x4c: {  	_ =	shalt  }
0x4d: {  	_ =	shalt  }
0x4e: {  	_ =	shalt  }
0x4f: {  	_ =	shalt  }
0x50: {  	_ =	shalt  }
0x51: {  	_ =	shalt  }
0x52: {  	_ =	shalt  }
0x53: {  	_ =	shalt  }
0x54: {  	_ =	shalt  }
0x55: {  	_ =	shalt  }
0x56: {  	_ =	shalt  }
0x57: {  	_ =	shalt  }
0x58: {  	_ =	shalt  }
0x59: {  	_ =	shalt  }
0x5a: {  	_ =	shalt  }
0x5b: {  	_ =	shalt  }
0x5c: {  	_ =	shalt  }
0x5d: {  	_ =	shalt  }
0x5e: {  	_ =	shalt  }
0x5f: {  	_ =	shalt  }
0x60: {  	_ =	shalt  }
0x61: {  	_ =	shalt  }
0x62: {  	_ =	shalt  }
0x63: {  	_ =	shalt  }
0x64: {  	_ =	shalt  }
0x65: {  	_ =	shalt  }
0x66: {  	_ =	shalt  }
0x67: {  	_ =	shalt  }
0x68: {  	_ =	shalt  }
0x69: {  	_ =	shalt  }
0x6a: {  	_ =	shalt  }
0x6b: {  	_ =	shalt  }
0x6c: {  	_ =	shalt  }
0x6d: {  	_ =	shalt  }
0x6e: {  	_ =	shalt  }
0x6f: {  	_ =	shalt  }
0x70: {  	_ =	shalt  }
0x71: {  	_ =	shalt  }
0x72: {  	_ =	shalt  }
0x73: {  	_ =	shalt  }
0x74: {  	_ =	shalt  }
0x75: {  	_ =	shalt  }
0x76: {  	_ =	shalt  }
0x77: {  	_ =	shalt  }
0x78: {  	_ =	shalt  }
0x79: {  	_ =	shalt  }
0x7a: {  	_ =	shalt  }
0x7b: {  	_ =	shalt  }
0x7c: {  	_ =	shalt  }
0x7d: {  	_ =	shalt  }
0x7e: {  	_ =	shalt  }
0x7f: {  	_ =	shalt  }
0x80: {  	_ =	shalt  }
0x81: {  	_ =	shalt  }
0x82: {  	_ =	shalt  }
0x83: {  	_ =	shalt  }
0x84: {  	_ =	shalt  }
0x85: {  	_ =	shalt  }
0x86: {  	_ =	shalt  }
0x87: {  	_ =	shalt  }
.Lfunc_end0:
.L_simem_size_0:
called_computation_lowered:
.L_overlay_start_0:
0x88: {  	s2 =	sld [smem:$0x3FD9]  }
0x89: {  	s3 =	sld [smem:$0x3FFE];
	_ =	sdelay $0x1  }
0x8a: {  	s1 =	srdreg.scid  }
0x8b: {  	s0 =	sand.u32 $0x1, s1  }
0x8c: {  	s17 =	sshll.u32 s0, $0xA;
	s2 =	sadd.s32 s3, s2  }
0x8d: {  	s2 =	sadd.s32 s2, s17  }
0x8e: {  	[smem:$0x3FC6] =	sst s2  }
0x8f: {  	_ = 	snop  }
0x90: {  	s18 =	sld [smem:$0x3FD0];
	(tm) =	ssettm $0x1  }
0x91: {  	s19 =	sld [smem:$0x3FFB];
	_ =	sdelay $0x3  }
0x92: {  	_ =	strace s19  }
0x93: {  	s2 =	sld [smem:$0x3FFC];
	_ =	sdelay $0x3  }
0x94: {  	_ =	strace s2  }
0x95: {  	s2 =	sld [smem:$0x3FFD];
	_ =	sdelay $0x3  }
0x96: {  	_ =	strace s2  }
0x97: {  	_ =	strace $0x8FFFFFFF  }
0x98: {  	s20 =	sld [smem:$0x3FDB];
	_ =	sdelay $0x1  }
0x99: {  	s4 =	simm.s32 $_scs_section_size  }
0x9a: {  	s5 =	simm.s32 $_size__tile_overlayer_lowered;
	s6 =	simm.s32 $_tile_overlayer_lowered  }
0x9b: {  	s7 =	simm.s32 $0x1BFF;
	s21 =	sshll.u32 s6, $0x1;
	s4 =	sadd.s32 s4, s20  }
0x9c: {  	s22 =	simm.s32 $0x0;
	s5 =	sshll.u32 s5, $0x1;
	s6 =	sadd.s32 s21, s4  }
0x9d: {  	[timem:s22], [sflag:s7] =	dma.local [hbm:s6], s5  }
0x9e: {  	_ =	swait.ge [sflag:s7], s5  }
0x9f: {  	s5 =	ssub.s32 $0x0, s5;
	[sflag:s7] =	ssyncset.done $0x0  }
0xa0: {  	[sflag:s7] =	ssyncadd.s32 s5;
	_ =	sdelay $0x1  }
0xa1: {  	s23 =	simm.s32 $0x1B8B  }
0xa2: {  	_ =	swait.ge [sflag:s23], $0x1  }
0xa3: {  	[sflag:s23] =	ssyncset.done $0x0  }
0xa4: {  	[sflag:s23] =	ssyncadd.s32 $0xFFFFFFFF  }
0xa5: {  	s5 =	sld [smem:$0x0]  }
0xa6: {  	s6 =	sand.u32 $0xFFFFFFFE, s1  }
0xa7: {  	p0 =	sne.s32 s1, s6  }
0xa8: {  	s6 =	sshll.u32 @p0 s6, $0xE  }
0xa9: {  	s6 =	sadd.s32 @p0 $0x11B8D, s6;
	s7 =	sshll.u32 @p0 s5, $0x11  }
0xaa: {  	s6 =	sor.u32 @p0 s7, s6  }
0xab: {  	[sflag:s6] =	ssyncadd.remote.s32 @p0 $0x1;
	_ =	sdelay $0x1  }
0xac: {  	s6 =	simm.s32 @p0 $0x1B8D  }
0xad: {  	_ =	swait.eq @p0 [sflag:s6], $0x1  }
0xae: {  	[sflag:s6] =	ssyncadd.s32 @p0 $0xFFFFFFFF  }
0xaf: {  	s7 =	sshll.u32 @!p0 s1, $0xE  }
0xb0: {  	s7 =	sor.u32 @!p0 $0x4000, s7;
	s6 =	simm.s32 @!p0 $0x1B8D  }
0xb1: {  	s5 =	sshll.u32 @!p0 s5, $0x11;
	s7 =	sadd.s32 @!p0 $0x11B8D, s7;
	_ =	swait.eq @!p0 [sflag:s6], $0x1  }
0xb2: {  	s5 =	sor.u32 @!p0 s5, s7;
	[sflag:s6] =	ssyncadd.s32 @!p0 $0xFFFFFFFF  }
0xb3: {  	s25 =	simm.s32 $0x1B8E;
	s24 =	sld [smem:$0x3FFE];
	[sflag:s5] =	ssyncadd.remote.s32 @!p0 $0x1  }
0xb4: {  	s26 =	simm.s32 $execute0_lowered;
	[smem:$0x3FD2] =	sst s25  }
0xb5: {  	s6 =	sshll.u32 s26, $0x1;
	_ =	strace $0x80000049;
	[dreg:$0x1] =	wrdreg $0xFFFFFFFF  }
0xb6: {  	s28 =	simm.s32 $_size_execute0_lowered;
	s4 =	sadd.s32 s4, s6;
	[dreg:$0x0] =	wrdreg $0x0  }
0xb7: {  	s6 =	sshll.u32 s28, $0x1;
	[dreg:$0x2] =	wrdreg s4  }
0xb8: {  	[dreg:$0x3] =	wrdreg s6  }
0xb9: {  	[dreg:$0x4] =	wrdreg $0xC0  }
0xba: {  	_ =	task [dreg:s22], $0x5FFFF  }
0xbb: {  	[dreg:$0x1] =	wrdreg $0xFFFFFFFF  }
0xbc: {  	[dreg:$0x0] =	wrdreg $0x60  }
0xbd: {  	[dreg:$0x2] =	wrdreg s24  }
0xbe: {  	[dreg:$0x3] =	wrdreg s18  }
0xbf: {  	[dreg:$0x4] =	wrdreg $0x9  }
0xc0: {  	_ =	task.clear_ibuf [dreg:s22], $0x5FFFF;
	_ =	strace $0x90000049  }
0xc1: {  	s29 =	simm.s32 $0x9;
	_ =	strace $0x8000004B  }
0xc2: {  	_ =	swait.ge [sflag:s29], $0x1  }
0xc3: {  	[sflag:s29] =	ssyncadd.s32 $0xFFFFFFFF  }
0xc4: {  	_ =	strace $0x9000004B  }
0xc5: {  	_ =	sfence  }
0xc6: {  	s30 =	sld [smem:$0x0];
	_ =	sdelay $0x2  }
0xc7: {  	s31 =	sshll.u32 s1, $0xD;
	s1 =	sshrl.u32 s1, $0x2  }
0xc8: {  	s4 =	sand.u32 $0x4000, s31;
	s1 =	sadd.s32 s1, s30  }
0xc9: {  	s0 =	sor.u32 s4, s0;
	s1 =	sshll.u32 s1, $0x11  }
0xca: {  	s0 =	sor.u32 s1, s0  }
0xcb: {  	s0 =	sadd.s32 $0x8F2B, s0  }
0xcc: {  	[sflag:s0] =	ssyncadd.remote.s32 $0x1  }
0xcd: {  	_ =	sfence.sel $0xFFFF  }
0xce: {  	[dreg:$0x0] =	wrdreg $0xFFFFFFFF;
	(pc) =	sbr.abs _section_cstart, $3  }
0xcf: {  	[dreg:$0x1] =	wrdreg $0xFFFFFFFF  }
0xd0: {  	_ =	task.clear_ibuf [dreg:s22], $0x2FFFF;
	_ =	strace $0x9FFFFFFF  }
0xd1: {  	(tm) =	ssettm $0x7FFFFFFF  }
tec
execute0_lowered:
.L_overlay_start_1:
0x0: {  	(tag) =	ssettag $0x1  }
0x1: {  	s1 =	srdreg.scid;
	s0 =	stileid.u32  }
0x2: {  	s18 =	sand.u32 $0x1, s1;
	s31 =	sshll.u32 s0, $0x1  }
0x3: {  	s13 =	sor.u32 s18, s31  }
0x4: {  	s5 =	rddreg [dreg:$0x0];
	s3 =	smul.u32 $0x2EE, s13  }
0x5: {  	s14 =	rddreg [dreg:$0x1];
	s2 =	simm.s32 $0x0  }
0x6: {  	s4 =	simm.s32 $0x7;
	[smem:$0x7FF] =	sst s2;
	s3 =	sadd.s32 s3, s5  }
0x7: {  	s1 =	rddreg [dreg:$0x2];
	_ =	strace $0x8000004A;
	s3 =	sadd.s32 $0x48400, s3  }
0x8: {  	[tilespmem:s2], [sflag:$0x7] =	stream.linear.gather [hbm4b:s3+s2], $0x1770, $0x38;
	[tilespmem:$0x18E70] =	vst v63  }
0x9: {  	_ =	swait.ge [sflag:s4], $0x1770  }
0xa: {  	s6 =	simm.s32 $0x7D0;
	[sflag:s4] =	ssyncset.done $0x0  }
0xb: {  	s7 =	simm.s32 $0x1770;
	s5 =	sadd.s32 $0x4C00, s5;
	[sflag:s4] =	ssyncadd.s32 $0xFFFFE890  }
0xc: {  	[tilespmem:s7], [sflag:$0x1] =	stream.indirect.gather [hbm4b:s5+s6], $0x10, s2, s6, $0xb8;
	[tilespmem:$0x18E70] =	vst v63  }
0xd: {  	s8 =	simm.s32 $0x9470  }
0xe: {  	[tilespmem:s8], [sflag:$0x2] =	stream.indirect.gather [hbm4b:s5+s6], $0x10, s6, s6, $0xb8;
	[tilespmem:$0x18E70] =	vst v63  }
0xf: {  	s9 =	simm.s32 $0xFA0;
	s10 =	simm.s32 $0x11170;
	s11 =	simm.s32 $0x1  }
0x10: {  	[tilespmem:s10], [sflag:$0x3] =	stream.indirect.gather [hbm4b:s5+s6], $0x10, s9, s6, $0xb8;
	[tilespmem:$0x18E70] =	vst v63  }
0x11: {  	s12 =	smul.u32 $0x2EE0, s13;
	_ =	swait.ge [sflag:s11], $0x7D00  }
0x12: {  	s15 =	smul.u32 $0x17700, s13;
	[sflag:s11] =	ssyncset.done $0x0  }
0x13: {  	s13 =	simm.s32 $0x2;
	s12 =	sadd.s32 s14, s12;
	[sflag:s11] =	ssyncadd.s32 $0xFFFF8300  }
0x14: {  	[hbm4b:s12+s2] =	stream.linear.scatter [tilespmem:s7], [sflag:$0x4], $0x7D00, $0x38;
	[tilespmem:$0x18E70] =	vst v63  }
0x15: {  	s15 =	sshrl.u32 s15, $0x3;
	_ =	swait.ge [sflag:s13], $0x7D00  }
0x16: {  	s16 =	sadd.s32 s14, s15;
	[sflag:s13] =	ssyncset.done $0x0  }
0x17: {  	s15 =	simm.s32 $0x3;
	s14 =	sadd.s32 $0xFA0, s16;
	[sflag:s13] =	ssyncadd.s32 $0xFFFF8300  }
0x18: {  	[hbm4b:s14+s2] =	stream.linear.scatter [tilespmem:s8], [sflag:$0x5], $0x7D00, $0x38;
	[tilespmem:$0x18E70] =	vst v63  }
0x19: {  	_ =	swait.ge [sflag:s15], $0x7D00  }
0x1a: {  	s17 =	simm.s32 $0x4;
	s19 =	ssub.s32 $0x2, s18;
	[sflag:s15] =	ssyncset.done $0x0  }
0x1b: {  	s20 =	sshrl.u32 s19, $0x1;
	s16 =	sadd.s32 $0x1F40, s16;
	[sflag:s15] =	ssyncadd.s32 $0xFFFF8300  }
0x1c: {  	[hbm4b:s16+s2] =	stream.linear.scatter [tilespmem:s10], [sflag:$0x6], $0x7D00, $0x38;
	[tilespmem:$0x18E70] =	vst v63  }
0x1d: {  	s19 =	ssub.s32 s19, s20;
	_ =	swait.ge [sflag:s17], $0x7D00  }
0x1e: {  	s20 =	smax.u32 s19, $0x1;
	[sflag:s17] =	ssyncset.done $0x0  }
0x1f: {  	s18 =	simm.s32 $0x5;
	p0 =	sne.s32 s20, $0x1;
	[sflag:s17] =	ssyncadd.s32 $0xFFFF8300  }
.Ltmp0:
0x20: {  	_ =	swait.ge [sflag:s18], $0x7D00;
	(pc) =	sbr.rel @!p0 .LBB2_2-.Ltmp0, $4  }
0x21: {  	[sflag:s18] =	ssyncset.done $0x0  }
0x22: {  	s19 =	simm.s32 $0x6;
	[sflag:s18] =	ssyncadd.s32 $0xFFFF8300  }
0x23: {  	_ =	swait.ge [sflag:s19], $0x7D00  }
0x24: {  	s20 =	sadd.s32 $0xFFFFFFFF, s20;
	[sflag:s19] =	ssyncset.done $0x0  }
.LBB2_1:
0x25: {  	p0 =	sne.s32 s20, $0x1;
	s20 =	sadd.s32 $0xFFFFFFFF, s20;
	[sflag:s19] =	ssyncadd.s32 $0xFFFF8300  }
0x26: {  	[tilespmem:s2], [sflag:$0x7] =	stream.linear.gather [hbm4b:s3+s2], $0x1770, $0x38;
	[tilespmem:$0x18E70] =	vst v63  }
0x27: {  	_ =	swait.ge [sflag:s4], $0x1770  }
0x28: {  	[sflag:s4] =	ssyncset.done $0x0  }
0x29: {  	[sflag:s4] =	ssyncadd.s32 $0xFFFFE890  }
0x2a: {  	[tilespmem:s7], [sflag:$0x1] =	stream.indirect.gather [hbm4b:s5+s6], $0x10, s2, s6, $0xb8;
	[tilespmem:$0x18E70] =	vst v63  }
0x2b: {  	_ = 	snop  }
0x2c: {  	[tilespmem:s8], [sflag:$0x2] =	stream.indirect.gather [hbm4b:s5+s6], $0x10, s6, s6, $0xb8;
	[tilespmem:$0x18E70] =	vst v63  }
0x2d: {  	_ = 	snop  }
0x2e: {  	[tilespmem:s10], [sflag:$0x3] =	stream.indirect.gather [hbm4b:s5+s6], $0x10, s9, s6, $0xb8;
	[tilespmem:$0x18E70] =	vst v63  }
0x2f: {  	_ =	swait.ge [sflag:s11], $0x7D00  }
0x30: {  	[sflag:s11] =	ssyncset.done $0x0  }
0x31: {  	[sflag:s11] =	ssyncadd.s32 $0xFFFF8300  }
0x32: {  	[hbm4b:s12+s2] =	stream.linear.scatter [tilespmem:s7], [sflag:$0x4], $0x7D00, $0x38;
	[tilespmem:$0x18E70] =	vst v63  }
0x33: {  	_ =	swait.ge [sflag:s13], $0x7D00  }
0x34: {  	[sflag:s13] =	ssyncset.done $0x0  }
0x35: {  	[sflag:s13] =	ssyncadd.s32 $0xFFFF8300  }
0x36: {  	[hbm4b:s14+s2] =	stream.linear.scatter [tilespmem:s8], [sflag:$0x5], $0x7D00, $0x38;
	[tilespmem:$0x18E70] =	vst v63  }
0x37: {  	_ =	swait.ge [sflag:s15], $0x7D00  }
0x38: {  	[sflag:s15] =	ssyncset.done $0x0  }
0x39: {  	[sflag:s15] =	ssyncadd.s32 $0xFFFF8300  }
0x3a: {  	[hbm4b:s16+s2] =	stream.linear.scatter [tilespmem:s10], [sflag:$0x6], $0x7D00, $0x38;
	[tilespmem:$0x18E70] =	vst v63  }
0x3b: {  	_ =	swait.ge [sflag:s17], $0x7D00  }
0x3c: {  	[sflag:s17] =	ssyncset.done $0x0  }
0x3d: {  	[sflag:s17] =	ssyncadd.s32 $0xFFFF8300  }
.Ltmp1:
0x3e: {  	_ =	swait.ge [sflag:s18], $0x7D00;
	(pc) =	sbr.rel @p0 .LBB2_1-.Ltmp1, $4  }
0x3f: {  	[sflag:s18] =	ssyncset.done $0x0  }
0x40: {  	[sflag:s18] =	ssyncadd.s32 $0xFFFF8300  }
0x41: {  	_ =	swait.ge [sflag:s19], $0x7D00  }
0x42: {  	[sflag:s19] =	ssyncset.done $0x0  }
.LBB2_2:
0x43: {  	[sflag:s19] =	ssyncadd.s32 $0xFFFF8300  }
0x44: {  	_ =	sfence.sel $0x180000  }
0x45: {  	[bflag:$0x0] =	sbarrier.arrive $0xFFFF  }
0x46: {  	p0 =	sne.s32 s0, $0x0;
	_ =	strace $0x9000004A  }
0x47: {  	s0 =	sadd.s32 @!p0 $0x100000, s1;
	[bflag:$0x2] =	sbarrier.arrive $0xFFFF  }
0x48: {  	[sflag:s0] =	ssyncadd.tile.s32 @!p0 $0x1;
	_ =	shalt  }
.Lfunc_end2:
_tile_overlayer_lowered:
.L_overlay_start_2:
0x49: {  	(tag) =	ssettag $0x2  }
0x4a: {  	s0 =	rddreg [dreg:$0x0];
	s2 =	stileid.u32  }
0x4b: {  	s1 =	rddreg [dreg:$0x1];
	p0 =	sne.s32 s2, $0x0  }
0x4c: {  	s3 =	rddreg [dreg:$0x2];
	[bflag:$0x3] =	sbarrier.arrive $0xFFFF;
	s2 =	simm.s32 @!p0 $0x1C07  }
0x4d: {  	[timem:s3], [sflag:s2] =	dma.local @!p0 [hbm:s0], s1  }
0x4e: {  	s0 =	simm.s32 @!p0 $0x7  }
0x4f: {  	_ =	swait.ge @!p0 [sflag:s0], s1  }
0x50: {  	s1 =	ssub.s32 @!p0 $0x0, s1;
	[sflag:s0] =	ssyncset.done @!p0 $0x0  }
0x51: {  	[sflag:s0] =	ssyncadd.s32 @!p0 s1  }
0x52: {  	[bflag:$0x3] =	sbarrier.arrive $0xFFFF  }
0x53: {  	_ =	shalt  }

// kernel: kernel.9.cloned.1.call-start
scs
__scs_entry_jumppad:
0x0: {  	(pc) =	sbr.rel $0x88, $3  }
0x1: {  	(tag) =	ssettag $0x0;
	lr =	simm.s32 $0x1  }
0x2: {  	[smem:$0x3F9F] =	sst lr;
	_ =	strace $0xD0000000  }
0x3: {  	_ = 	snop  }
0x4: {  	_ = 	snop  }
0x5: {  	_ = 	snop  }
0x6: {  	_ = 	snop  }
0x7: {  	_ = 	snop  }
__scs_overlays_trampoline_lowered:
0x8: {  	[smem:$0x3FAE] =	sst s0  }
0x9: {  	[smem:$0x3FAF] =	sst s1  }
0xa: {  	[smem:$0x3FB0] =	sst s2  }
0xb: {  	[smem:$0x3FB1] =	sst s3  }
0xc: {  	[smem:$0x3FB2] =	sst s4  }
0xd: {  	[smem:$0x3FB3] =	sst s5  }
0xe: {  	[smem:$0x3FB4] =	sst s6  }
0xf: {  	[smem:$0x3FB5] =	sst s7  }
0x10: {  	[smem:$0x3FB6] =	sst s8  }
0x11: {  	[smem:$0x3FB7] =	sst s9;
	s0 =	simm.s32 @!p0 $0x0  }
0x12: {  	s1 =	sld [smem:$0x3F9D];
	s0 =	simm.s32 @p0 $0x1  }
0x13: {  	[smem:$0x3FB8] =	sst s0;
	s0 =	simm.s32 @!p1 $0x0  }
0x14: {  	s2 =	sld [smem:$0x3F9C];
	s0 =	simm.s32 @p1 $0x1  }
0x15: {  	[smem:$0x3FB9] =	sst s0;
	s0 =	simm.s32 @!p2 $0x0  }
0x16: {  	s3 =	sld [smem:$0x3FDB];
	s0 =	simm.s32 @p2 $0x1  }
0x17: {  	s4 =	simm.s32 $0x1BF5;
	[smem:$0x3FBB] =	sst s0  }
0x18: {  	s0 =	sld [smem:$0x3F9E];
	_ =	swait.ge [sflag:s4], $0x0  }
0x19: {  	s7 =	sld [smem:$0x3F9F]  }
0x1a: {  	s8 =	sadd.s32 $0xFFFFE003, lr  }
0x1b: {  	s9 =	sadd.s32 $0xFFFFFEF7, lr;
	s5 =	simm.s32 $0xFFFFFFFF;
	p2 =	slt.u32 s8, $0xFFFFF086  }
0x1c: {  	p1 =	slt.u32 s9, $0xF7A;
	s5 =	simm.s32 @!p2 $0x0  }
0x1d: {  	s5 =	simm.s32 @p1 $0x1;
	p0 =	seq.s32 s7, s2  }
0x1e: {  	s7 =	smul.u32 @!p0 $0xF7A, s2;
	p2 =	seq.s32 @!p0 s5, $0x0  }
0x1f: {  	s9 =	smul.u32 $0xF7A, s1;
	s8 =	simm.s32 @!p0 $0x1BF5;
	p2 =	por !p2, p0  }
0x20: {  	[sflag:s8] =	ssyncset.s32 @!p0 $0xFFFFF086;
	s6 =	sadd.s32 @!p0 s3, s7;
	s7 =	simm.s32 @!p0 $0x108  }
0x21: {  	s3 =	sadd.s32 s3, s9;
	s6 =	sadd.s32 @!p0 $0x88, s6;
	s7 =	simm.s32 @p2 $0x1082  }
0x22: {  	[simem:s7], [sflag:s8] =	dma.local @!p0 [hbm:s6], $0xF7A  }
0x23: {  	s9 =	sor.u32 $0xD0000000, s2;
	s6 =	simm.s32 $0x108;
	_ =	swait.ge @!p0 [sflag:s8], $0x0  }
0x24: {  	s3 =	sadd.s32 $0x88, s3;
	s6 =	simm.s32 @!p1 $0x1082;
	[sflag:s4] =	ssyncset.s32 $0xFFFFF086  }
0x25: {  	[simem:s6], [sflag:s4] =	dma.local [hbm:s3], $0xF7A  }
0x26: {  	[smem:$0x3F9F] =	sst s1;
	(tag) =	ssettag s2;
	_ =	strace s9  }
0x27: {  	s1 =	sld [smem:$0x3FAF]  }
0x28: {  	s2 =	sld [smem:$0x3FB0]  }
0x29: {  	s4 =	sld [smem:$0x3FB2]  }
0x2a: {  	p0 =	seq.s32 s5, $0x0;
	s5 =	sld [smem:$0x3FB3]  }
0x2b: {  	s6 =	sld [smem:$0x3FB4]  }
0x2c: {  	s7 =	sld [smem:$0x3FB5]  }
0x2d: {  	s3 =	simm.s32 $0x108;
	s8 =	sld [smem:$0x3FB6]  }
0x2e: {  	s3 =	simm.s32 @!p0 $0x1082;
	s9 =	sld [smem:$0x3FB7]  }
0x2f: {  	lr =	sadd.s32 s0, s3;
	s0 =	sld [smem:$0x3FAE]  }
0x30: {  	s3 =	sld [smem:$0x3FB1]  }
0x31: {  	[smem:$0x3FBA] =	sst s10  }
0x32: {  	s10 =	sld [smem:$0x3FB8];
	_ =	sdelay $0x3  }
0x33: {  	p0 =	seq.s32 s10, $0x1;
	s10 =	sld [smem:$0x3FBA];
	_ =	sdelay $0x3  }
0x34: {  	[smem:$0x3FBA] =	sst s10  }
0x35: {  	s10 =	sld [smem:$0x3FB9];
	_ =	sdelay $0x3  }
0x36: {  	p1 =	seq.s32 s10, $0x1;
	s10 =	sld [smem:$0x3FBA];
	_ =	sdelay $0x3  }
0x37: {  	[smem:$0x3FBA] =	sst s10  }
0x38: {  	s10 =	sld [smem:$0x3FBB]  }
0x39: {  	_ = 	snop;
	(pc) =	sbr.ind lr, $3  }
0x3a: {  	_ = 	snop  }
0x3b: {  	_ = 	snop  }
0x3c: {  	p2 =	seq.s32 s10, $0x1;
	s10 =	sld [smem:$0x3FBA]  }
0x3d: {  	_ =	shalt  }
0x3e: {  	_ =	shalt  }
0x3f: {  	_ =	shalt  }
0x40: {  	_ =	shalt  }
0x41: {  	_ =	shalt  }
0x42: {  	_ =	shalt  }
0x43: {  	_ =	shalt  }
0x44: {  	_ =	shalt  }
0x45: {  	_ =	shalt  }
0x46: {  	_ =	shalt  }
0x47: {  	_ =	shalt  }
0x48: {  	_ =	shalt  }
0x49: {  	_ =	shalt  }
0x4a: {  	_ =	shalt  }
0x4b: {  	_ =	shalt  }
0x4c: {  	_ =	shalt  }
0x4d: {  	_ =	shalt  }
0x4e: {  	_ =	shalt  }
0x4f: {  	_ =	shalt  }
0x50: {  	_ =	shalt  }
0x51: {  	_ =	shalt  }
0x52: {  	_ =	shalt  }
0x53: {  	_ =	shalt  }
0x54: {  	_ =	shalt  }
0x55: {  	_ =	shalt  }
0x56: {  	_ =	shalt  }
0x57: {  	_ =	shalt  }
0x58: {  	_ =	shalt  }
0x59: {  	_ =	shalt  }
0x5a: {  	_ =	shalt  }
0x5b: {  	_ =	shalt  }
0x5c: {  	_ =	shalt  }
0x5d: {  	_ =	shalt  }
0x5e: {  	_ =	shalt  }
0x5f: {  	_ =	shalt  }
0x60: {  	_ =	shalt  }
0x61: {  	_ =	shalt  }
0x62: {  	_ =	shalt  }
0x63: {  	_ =	shalt  }
0x64: {  	_ =	shalt  }
0x65: {  	_ =	shalt  }
0x66: {  	_ =	shalt  }
0x67: {  	_ =	shalt  }
0x68: {  	_ =	shalt  }
0x69: {  	_ =	shalt  }
0x6a: {  	_ =	shalt  }
0x6b: {  	_ =	shalt  }
0x6c: {  	_ =	shalt  }
0x6d: {  	_ =	shalt  }
0x6e: {  	_ =	shalt  }
0x6f: {  	_ =	shalt  }
0x70: {  	_ =	shalt  }
0x71: {  	_ =	shalt  }
0x72: {  	_ =	shalt  }
0x73: {  	_ =	shalt  }
0x74: {  	_ =	shalt  }
0x75: {  	_ =	shalt  }
0x76: {  	_ =	shalt  }
0x77: {  	_ =	shalt  }
0x78: {  	_ =	shalt  }
0x79: {  	_ =	shalt  }
0x7a: {  	_ =	shalt  }
0x7b: {  	_ =	shalt  }
0x7c: {  	_ =	shalt  }
0x7d: {  	_ =	shalt  }
0x7e: {  	_ =	shalt  }
0x7f: {  	_ =	shalt  }
0x80: {  	_ =	shalt  }
0x81: {  	_ =	shalt  }
0x82: {  	_ =	shalt  }
0x83: {  	_ =	shalt  }
0x84: {  	_ =	shalt  }
0x85: {  	_ =	shalt  }
0x86: {  	_ =	shalt  }
0x87: {  	_ =	shalt  }
.Lfunc_end0:
.L_simem_size_0:
called_computation.1_lowered:
.L_overlay_start_0:
0x88: {  	s2 =	sld [smem:$0x3FD9]  }
0x89: {  	s3 =	sld [smem:$0x3FFE];
	_ =	sdelay $0x1  }
0x8a: {  	s1 =	srdreg.scid  }
0x8b: {  	s0 =	sand.u32 $0x1, s1  }
0x8c: {  	s16 =	sshll.u32 s0, $0xA;
	s2 =	sadd.s32 s3, s2  }
0x8d: {  	s2 =	sadd.s32 s2, s16  }
0x8e: {  	[smem:$0x3FC6] =	sst s2  }
0x8f: {  	_ = 	snop  }
0x90: {  	(tm) =	ssettm $0x1  }
0x91: {  	s17 =	sld [smem:$0x3FFB];
	_ =	sdelay $0x3  }
0x92: {  	_ =	strace s17  }
0x93: {  	s2 =	sld [smem:$0x3FFC];
	_ =	sdelay $0x3  }
0x94: {  	_ =	strace s2  }
0x95: {  	s2 =	sld [smem:$0x3FFD];
	_ =	sdelay $0x3  }
0x96: {  	_ =	strace s2  }
0x97: {  	_ =	strace $0x8FFFFFFF  }
0x98: {  	s18 =	sld [smem:$0x3FDB];
	_ =	sdelay $0x1  }
0x99: {  	s19 =	simm.s32 $_scs_section_size  }
0x9a: {  	s4 =	simm.s32 $_size__tile_overlayer_lowered;
	s5 =	simm.s32 $_tile_overlayer_lowered  }
0x9b: {  	s22 =	simm.s32 $0x1BFF;
	s21 =	sshll.u32 s5, $0x1;
	s2 =	sadd.s32 s19, s18  }
0x9c: {  	s6 =	simm.s32 $0x0;
	s20 =	sshll.u32 s4, $0x1;
	s4 =	sadd.s32 s21, s2  }
0x9d: {  	[timem:s6], [sflag:s22] =	dma.local [hbm:s4], s20  }
0x9e: {  	_ =	swait.ge [sflag:s22], s20  }
0x9f: {  	s3 =	ssub.s32 $0x0, s20;
	[sflag:s22] =	ssyncset.done $0x0  }
0xa0: {  	[sflag:s22] =	ssyncadd.s32 s3;
	_ =	sdelay $0x1  }
0xa1: {  	s23 =	simm.s32 $0x1B8B  }
0xa2: {  	_ =	swait.ge [sflag:s23], $0x1  }
0xa3: {  	[sflag:s23] =	ssyncset.done $0x0  }
0xa4: {  	s25 =	simm.s32 $0x1B8E;
	s24 =	sld [smem:$0x3FFE];
	[sflag:s23] =	ssyncadd.s32 $0xFFFFFFFF  }
0xa5: {  	s26 =	simm.s32 $execute0_lowered;
	[smem:$0x3FD2] =	sst s25  }
0xa6: {  	s4 =	sshll.u32 s26, $0x1;
	_ =	strace $0x80000046;
	[dreg:$0x1] =	wrdreg $0xFFFFFFFF  }
0xa7: {  	s28 =	simm.s32 $_size_execute0_lowered;
	s2 =	sadd.s32 s2, s4;
	[dreg:$0x0] =	wrdreg $0x0  }
0xa8: {  	s4 =	sshll.u32 s28, $0x1;
	[dreg:$0x2] =	wrdreg s2  }
0xa9: {  	[dreg:$0x3] =	wrdreg s4  }
0xaa: {  	[dreg:$0x4] =	wrdreg $0xC0  }
0xab: {  	_ =	task [dreg:s6], $0x5FFFF  }
0xac: {  	[dreg:$0x1] =	wrdreg $0xFFFFFFFF  }
0xad: {  	[dreg:$0x0] =	wrdreg $0x60  }
0xae: {  	[dreg:$0x2] =	wrdreg s24  }
0xaf: {  	[dreg:$0x3] =	wrdreg $0xA  }
0xb0: {  	_ =	task.clear_ibuf [dreg:s6], $0x4FFFF;
	_ =	strace $0x90000046  }
0xb1: {  	s29 =	simm.s32 $0xA;
	_ =	strace $0x80000048  }
0xb2: {  	_ =	swait.ge [sflag:s29], $0x1  }
0xb3: {  	[sflag:s29] =	ssyncadd.s32 $0xFFFFFFFF  }
0xb4: {  	_ =	strace $0x90000048  }
0xb5: {  	_ =	sfence  }
0xb6: {  	s30 =	sld [smem:$0x0];
	_ =	sdelay $0x2  }
0xb7: {  	s31 =	sshll.u32 s1, $0xD;
	s1 =	sshrl.u32 s1, $0x2  }
0xb8: {  	s3 =	sand.u32 $0x4000, s31;
	s1 =	sadd.s32 s1, s30  }
0xb9: {  	s0 =	sor.u32 s3, s0;
	s1 =	sshll.u32 s1, $0x11  }
0xba: {  	s0 =	sor.u32 s1, s0  }
0xbb: {  	s0 =	sadd.s32 $0x8F2B, s0  }
0xbc: {  	[sflag:s0] =	ssyncadd.remote.s32 $0x1  }
0xbd: {  	_ =	sfence.sel $0xFFFF  }
0xbe: {  	[dreg:$0x0] =	wrdreg $0xFFFFFFFF;
	(pc) =	sbr.abs _section_cstart, $3  }
0xbf: {  	[dreg:$0x1] =	wrdreg $0xFFFFFFFF  }
0xc0: {  	_ =	task.clear_ibuf [dreg:s6], $0x2FFFF;
	_ =	strace $0x9FFFFFFF  }
0xc1: {  	(tm) =	ssettm $0x7FFFFFFF  }
tec
execute0_lowered:
.L_overlay_start_1:
0x0: {  	(tag) =	ssettag $0x1  }
0x1: {  	s1 =	srdreg.scid;
	s0 =	stileid.u32  }
0x2: {  	s12 =	sand.u32 $0x1, s1;
	s28 =	sshll.u32 s0, $0x1  }
0x3: {  	s11 =	sor.u32 s12, s28  }
0x4: {  	s3 =	smul.u32 $0x1F4, s11  }
0x5: {  	s10 =	rddreg [dreg:$0x0];
	s2 =	simm.s32 $0x0  }
0x6: {  	s4 =	simm.s32 $0x5;
	[smem:$0x7FF] =	sst s2;
	s3 =	sadd.s32 s3, s10  }
0x7: {  	s1 =	rddreg [dreg:$0x1];
	_ =	strace $0x80000047;
	s3 =	sadd.s32 $0xC00, s3  }
0x8: {  	[tilespmem:s2], [sflag:$0x5] =	stream.linear.gather [hbm4b:s3+s2], $0xFA0, $0x38;
	[tilespmem:$0x109A0] =	vst v63  }
0x9: {  	_ =	swait.ge [sflag:s4], $0xFA0  }
0xa: {  	s6 =	simm.s32 $0x7D0;
	s7 =	simm.s32 $0xFA0;
	[sflag:s4] =	ssyncset.done $0x0  }
0xb: {  	s8 =	simm.s32 $0x8CA0;
	s5 =	sadd.s32 $0x4C00, s10;
	[sflag:s4] =	ssyncadd.s32 $0xFFFFF060  }
0xc: {  	[tilespmem:s7], [sflag:$0x1] =	stream.indirect.gather [hbm4b:s5+s6], $0x10, s2, s6, $0xb8;
	[tilespmem:$0x109A0] =	vst v63  }
0xd: {  	s9 =	simm.s32 $0x1;
	s14 =	sadd.s32 $0x9C00, s10;
	s13 =	smul.u32 $0x1F40, s11  }
0xe: {  	[tilespmem:s8], [sflag:$0x2] =	stream.indirect.gather [hbm4b:s5+s6], $0x10, s6, s6, $0xb8;
	[tilespmem:$0x109A0] =	vst v63  }
0xf: {  	s15 =	ssub.s32 $0x2, s12;
	s29 =	smul.u32 $0xFA00, s11;
	_ =	swait.ge [sflag:s9], $0x7D00  }
0x10: {  	s11 =	simm.s32 $0x2;
	s31 =	sshrl.u32 s15, $0x1;
	[sflag:s9] =	ssyncset.done $0x0  }
0x11: {  	s10 =	sadd.s32 s14, s13;
	s13 =	sshrl.u32 s29, $0x3;
	[sflag:s9] =	ssyncadd.s32 $0xFFFF8300  }
0x12: {  	[hbm4b:s10+s2] =	stream.linear.scatter [tilespmem:s7], [sflag:$0x3], $0x7D00, $0x38;
	[tilespmem:$0x109A0] =	vst v63  }
0x13: {  	s30 =	sadd.s32 s14, s13;
	s14 =	ssub.s32 s15, s31;
	_ =	swait.ge [sflag:s11], $0x7D00  }
0x14: {  	s13 =	simm.s32 $0x3;
	s15 =	smax.u32 s14, $0x1;
	[sflag:s11] =	ssyncset.done $0x0  }
0x15: {  	s12 =	sadd.s32 $0xFA0, s30;
	p0 =	sne.s32 s15, $0x1;
	[sflag:s11] =	ssyncadd.s32 $0xFFFF8300  }
0x16: {  	[hbm4b:s12+s2] =	stream.linear.scatter [tilespmem:s8], [sflag:$0x4], $0x7D00, $0x38;
	[tilespmem:$0x109A0] =	vst v63  }
.Ltmp0:
0x17: {  	_ =	swait.ge [sflag:s13], $0x7D00;
	(pc) =	sbr.rel @!p0 .LBB2_2-.Ltmp0, $4  }
0x18: {  	[sflag:s13] =	ssyncset.done $0x0  }
0x19: {  	s14 =	simm.s32 $0x4;
	[sflag:s13] =	ssyncadd.s32 $0xFFFF8300  }
0x1a: {  	_ =	swait.ge [sflag:s14], $0x7D00  }
0x1b: {  	s15 =	sadd.s32 $0xFFFFFFFF, s15;
	[sflag:s14] =	ssyncset.done $0x0  }
.LBB2_1:
0x1c: {  	p0 =	sne.s32 s15, $0x1;
	s15 =	sadd.s32 $0xFFFFFFFF, s15;
	[sflag:s14] =	ssyncadd.s32 $0xFFFF8300  }
0x1d: {  	[tilespmem:s2], [sflag:$0x5] =	stream.linear.gather [hbm4b:s3+s2], $0xFA0, $0x38;
	[tilespmem:$0x109A0] =	vst v63  }
0x1e: {  	_ =	swait.ge [sflag:s4], $0xFA0  }
0x1f: {  	[sflag:s4] =	ssyncset.done $0x0  }
0x20: {  	[sflag:s4] =	ssyncadd.s32 $0xFFFFF060  }
0x21: {  	[tilespmem:s7], [sflag:$0x1] =	stream.indirect.gather [hbm4b:s5+s6], $0x10, s2, s6, $0xb8;
	[tilespmem:$0x109A0] =	vst v63  }
0x22: {  	_ = 	snop  }
0x23: {  	[tilespmem:s8], [sflag:$0x2] =	stream.indirect.gather [hbm4b:s5+s6], $0x10, s6, s6, $0xb8;
	[tilespmem:$0x109A0] =	vst v63  }
0x24: {  	_ =	swait.ge [sflag:s9], $0x7D00  }
0x25: {  	[sflag:s9] =	ssyncset.done $0x0  }
0x26: {  	[sflag:s9] =	ssyncadd.s32 $0xFFFF8300  }
0x27: {  	[hbm4b:s10+s2] =	stream.linear.scatter [tilespmem:s7], [sflag:$0x3], $0x7D00, $0x38;
	[tilespmem:$0x109A0] =	vst v63  }
0x28: {  	_ =	swait.ge [sflag:s11], $0x7D00  }
0x29: {  	[sflag:s11] =	ssyncset.done $0x0  }
0x2a: {  	[sflag:s11] =	ssyncadd.s32 $0xFFFF8300  }
0x2b: {  	[hbm4b:s12+s2] =	stream.linear.scatter [tilespmem:s8], [sflag:$0x4], $0x7D00, $0x38;
	[tilespmem:$0x109A0] =	vst v63  }
.Ltmp1:
0x2c: {  	_ =	swait.ge [sflag:s13], $0x7D00;
	(pc) =	sbr.rel @p0 .LBB2_1-.Ltmp1, $4  }
0x2d: {  	[sflag:s13] =	ssyncset.done $0x0  }
0x2e: {  	[sflag:s13] =	ssyncadd.s32 $0xFFFF8300  }
0x2f: {  	_ =	swait.ge [sflag:s14], $0x7D00  }
0x30: {  	[sflag:s14] =	ssyncset.done $0x0  }
.LBB2_2:
0x31: {  	[sflag:s14] =	ssyncadd.s32 $0xFFFF8300  }
0x32: {  	_ =	sfence.sel $0x180000  }
0x33: {  	[bflag:$0x0] =	sbarrier.arrive $0xFFFF  }
0x34: {  	p0 =	sne.s32 s0, $0x0;
	_ =	strace $0x90000047  }
0x35: {  	s0 =	sadd.s32 @!p0 $0x100000, s1;
	[bflag:$0x2] =	sbarrier.arrive $0xFFFF  }
0x36: {  	[sflag:s0] =	ssyncadd.tile.s32 @!p0 $0x1;
	_ =	shalt  }
.Lfunc_end2:
_tile_overlayer_lowered:
.L_overlay_start_2:
0x37: {  	(tag) =	ssettag $0x2  }
0x38: {  	s0 =	rddreg [dreg:$0x0];
	s2 =	stileid.u32  }
0x39: {  	s1 =	rddreg [dreg:$0x1];
	p0 =	sne.s32 s2, $0x0  }
0x3a: {  	s3 =	rddreg [dreg:$0x2];
	[bflag:$0x3] =	sbarrier.arrive $0xFFFF;
	s2 =	simm.s32 @!p0 $0x1C05  }
0x3b: {  	[timem:s3], [sflag:s2] =	dma.local @!p0 [hbm:s0], s1  }
0x3c: {  	s0 =	simm.s32 @!p0 $0x5  }
0x3d: {  	_ =	swait.ge @!p0 [sflag:s0], s1  }
0x3e: {  	s1 =	ssub.s32 @!p0 $0x0, s1;
	[sflag:s0] =	ssyncset.done @!p0 $0x0  }
0x3f: {  	[sflag:s0] =	ssyncadd.s32 @!p0 s1  }
0x40: {  	[bflag:$0x3] =	sbarrier.arrive $0xFFFF  }
0x41: {  	_ =	shalt  }

</sc_bundles>
